<compile_context>
chip_gen: v7x
topology: tpu7x:2x2x1
jax: 0.10.2.dev20260603
libtpu: 0.0.44.dev20260713+nightly
codegen_flags: <defaults>
</compile_context>

<pallas_src>
import functools
import jax
import jax.numpy as jnp
from jax import lax
from jax.experimental import pallas as pl
from jax.experimental.pallas import tpu as pltpu
import jax.experimental.pallas.tpu_sc as plsc

N = 10000
E = 320000
F = 128
H = 256
B = 8

NS = 16
NC = 2
EPT = E // NS
K = 128
NBP = 157
EPTP = NBP * K
ACC_R = N + 8
CH = 632
CH_LAST = N - (NS - 1) * CH


def _per_tile_rows(do_copy):
    t = lax.axis_index("s")

    @pl.when(t < NS - 1)
    def _():
        do_copy(pl.multiple_of(t * CH, 8), CH)

    @pl.when(t == NS - 1)
    def _():
        do_copy((NS - 1) * CH, CH_LAST)

@functools.lru_cache(maxsize=None)
def _sc_mesh():
    return plsc.VectorSubcoreMesh(
        core_axis_name="c", subcore_axis_name="s",
        num_cores=NC, num_subcores=NS)



def _deg_body(dst_hbm, zeros_hbm, ones_hbm, out_hbm,
              acc, ones_v, didx0, didx1, didx2, didx3,
              semd0, semd1, semd2, semd3, sems0, sems1, sems2, sems3):
    c = lax.axis_index("c")
    t = lax.axis_index("s")
    _per_tile_rows(lambda b, n: pltpu.sync_copy(
        zeros_hbm.at[pl.ds(b, n)], acc.at[pl.ds(b, n)]))
    pltpu.sync_copy(ones_hbm, ones_v)
    plsc.subcore_barrier()

    bufs = ((didx0, semd0, sems0), (didx1, semd1, sems1),
            (didx2, semd2, sems2), (didx3, semd3, sems3))

    def dslc(gb):
        return dst_hbm.at[pl.ds(pl.multiple_of(t * EPTP + gb * K, 8), K)]

    def prep(nb, pb):
        didx, semd, sems = bufs[pb]

        @pl.when(nb >= 4)
        def _():
            pltpu.make_async_copy(ones_v, acc.at[didx], sems).wait()

        pltpu.async_copy(dslc(nb), didx, semd)

    def proc(gb, b):
        didx, semd, sems = bufs[b]
        pltpu.make_async_copy(dslc(gb), didx, semd).wait()
        pltpu.async_copy(ones_v, acc.at[didx], sems, add=True)

    prep(0, 0)
    prep(1, 1)

    @pl.loop(0, NBP - 1, step=4)
    def _(g):
        for i in range(4):
            gb = g + i
            proc(gb, i)

            @pl.when(gb + 2 < NBP)
            def _():
                prep(gb + 2, (i + 2) % 4)

    proc(NBP - 1, (NBP - 1) % 4)
    for gb in (NBP - 4, NBP - 3, NBP - 2, NBP - 1):
        didx, _, sems = bufs[gb % 4]
        pltpu.make_async_copy(ones_v, acc.at[didx], sems).wait()

    plsc.subcore_barrier()
    _per_tile_rows(lambda b, n: pltpu.sync_copy(
        acc.at[pl.ds(b, n)], out_hbm.at[c, pl.ds(b, n)]))


@jax.jit
def _deg_sc(dst_r, zeros16, ones_k):
    f = pl.kernel(
        _deg_body,
        out_type=jax.ShapeDtypeStruct((NC, N, 128), jnp.float32),
        mesh=_sc_mesh(),
        scratch_types=(
            [pltpu.VMEM_SHARED((ACC_R, 128), jnp.float32),
             pltpu.VMEM((K, 128), jnp.float32)]
            + [pltpu.VMEM((K,), jnp.int32)] * 4
            + [pltpu.SemaphoreType.DMA] * 8
        ),
    )
    return f(dst_r, zeros16, ones_k)


def _spmm_body(D, table_hbm, src_hbm, dst_hbm, out_hbm,
               acc, sidx0, sidx1, sidx2, didx0, didx1, didx2,
               rows0, rows1, rows2,
               semg0, semg1, semg2, semd0, semd1, semd2,
               sems0, sems1, sems2):
    c = lax.axis_index("c")
    t = lax.axis_index("s")
    _per_tile_rows(lambda b, n: pltpu.sync_copy(
        table_hbm.at[pl.ds(pl.multiple_of(c * N + b, 8), n)],
        acc.at[pl.ds(b, n)]))
    plsc.subcore_barrier()

    bufs = ((sidx0, didx0, rows0, semg0, semd0, sems0),
            (sidx1, didx1, rows1, semg1, semd1, sems1),
            (sidx2, didx2, rows2, semg2, semd2, sems2))

    def sslc(gb):
        return src_hbm.at[
            pl.ds(pl.multiple_of((c * NS + t) * EPTP + gb * K, 8), K)]

    def dslc(gb):
        return dst_hbm.at[pl.ds(pl.multiple_of(t * EPTP + gb * K, 8), K)]

    def prep(nb, pb):
        sidx, didx, rows, semg, semd, sems = bufs[pb]

        @pl.when(nb >= 3)
        def _():
            pltpu.make_async_copy(rows, acc.at[didx], sems).wait()

        pltpu.sync_copy(sslc(nb), sidx)
        pltpu.async_copy(table_hbm.at[sidx], rows, semg)
        pltpu.async_copy(dslc(nb), didx, semd)

    def proc(gb, b):
        sidx, didx, rows, semg, semd, sems = bufs[b]
        pltpu.make_async_copy(dslc(gb), didx, semd).wait()
        pltpu.make_async_copy(table_hbm.at[sidx], rows, semg).wait()
        pltpu.async_copy(rows, acc.at[didx], sems, add=True)

    prep(0, 0)
    prep(1, 1)

    @pl.loop(0, NBP - 1, step=3)
    def _(g):
        for i in range(3):
            gb = g + i
            proc(gb, i)

            @pl.when(gb + 2 < NBP)
            def _():
                prep(gb + 2, (i + 2) % 3)

    proc(NBP - 1, (NBP - 1) % 3)

    for gb in (NBP - 3, NBP - 2, NBP - 1):
        _, didx, rows, _, _, sems = bufs[gb % 3]
        pltpu.make_async_copy(rows, acc.at[didx], sems).wait()

    plsc.subcore_barrier()
    _per_tile_rows(lambda b, n: pltpu.sync_copy(
        acc.at[pl.ds(b, n)], out_hbm.at[c, pl.ds(b, n)]))


@functools.partial(jax.jit, static_argnums=(3,))
def _spmm_sc(table2, src2, dst_r, D):
    f = pl.kernel(
        functools.partial(_spmm_body, D),
        out_type=jax.ShapeDtypeStruct((NC, N, D), jnp.float32),
        mesh=_sc_mesh(),
        scratch_types=(
            [pltpu.VMEM_SHARED((ACC_R, D), jnp.float32)]
            + [pltpu.VMEM((K,), jnp.int32)] * 6
            + [pltpu.VMEM((K, D), jnp.float32)] * 3
            + [pltpu.SemaphoreType.DMA] * 9
        ),
    )
    return f(table2, src2, dst_r)



MB = 1000
NMB = N // MB


def _t1_body(x_ref, w_ref, dcol_ref, hws_ref, dinv_ref):
    dinv = lax.rsqrt(dcol_ref[...] + 1.0)
    dinv_ref[...] = dinv
    hws_ref[0] = dinv * jnp.dot(x_ref[...], w_ref[...],
                                preferred_element_type=jnp.float32)


@jax.jit
def _t1(x, W0, dcol):
    return pl.pallas_call(
        _t1_body,
        grid=(NC, NMB),
        in_specs=[
            pl.BlockSpec((MB, F), lambda c, m: (m, 0)),
            pl.BlockSpec((F, H // NC), lambda c, m: (0, c)),
            pl.BlockSpec((MB, 1), lambda c, m: (m, 0)),
        ],
        out_specs=[
            pl.BlockSpec((1, MB, H // NC), lambda c, m: (c, m, 0)),
            pl.BlockSpec((MB, 1), lambda c, m: (m, 0)),
        ],
        out_shape=[
            jax.ShapeDtypeStruct((NC, N, H // NC), jnp.float32),
            jax.ShapeDtypeStruct((N, 1), jnp.float32),
        ],
    )(x, W0, dcol)


def _epi_mm_body(with_glob, raw_ref, dinv_ref, b_ref, w_ref, oh_ref,
                 hws_ref, glob_ref):
    c = pl.program_id(0)
    mb = pl.program_id(1)
    dinv = dinv_ref[...]
    h = jax.nn.relu(
        dinv * jnp.concatenate([raw_ref[0], raw_ref[1]], axis=-1) + b_ref[...])
    hws_ref[0] = dinv * jnp.dot(h, w_ref[...],
                                preferred_element_type=jnp.float32)
    if with_glob:
        hh = jnp.where(c == 0, h[:, :H // NC], h[:, H // NC:])
        oh = oh_ref[...]
        neg = jnp.float32(-jnp.inf)
        parts = [jnp.max(jnp.where(oh[:, g:g + 1] > 0, hh, neg), axis=0)
                 for g in range(B)]
        blk = jnp.stack(parts, axis=0)
        prev = jnp.where(mb == 0, neg, glob_ref[...])
        glob_ref[...] = jnp.maximum(prev, blk)


@jax.jit
def _t2(raw0, dinv, b0, W1, onehot):
    return pl.pallas_call(
        functools.partial(_epi_mm_body, True),
        grid=(NC, NMB),
        in_specs=[
            pl.BlockSpec((NC, MB, H // NC), lambda c, m: (0, m, 0)),
            pl.BlockSpec((MB, 1), lambda c, m: (m, 0)),
            pl.BlockSpec((1, H), lambda c, m: (0, 0)),
            pl.BlockSpec((H, H // NC), lambda c, m: (0, c)),
            pl.BlockSpec((MB, B), lambda c, m: (m, 0)),
        ],
        out_specs=[
            pl.BlockSpec((1, MB, H // NC), lambda c, m: (c, m, 0)),
            pl.BlockSpec((B, H // NC), lambda c, m: (0, c)),
        ],
        out_shape=[
            jax.ShapeDtypeStruct((NC, N, H // NC), jnp.float32),
            jax.ShapeDtypeStruct((B, H), jnp.float32),
        ],
    )(raw0, dinv, b0, W1, onehot)


def _t4_body(raw_ref, dinv_ref, b_ref, w_ref, hws_ref):
    _epi_mm_body(False, raw_ref, dinv_ref, b_ref, w_ref, None, hws_ref, None)


@jax.jit
def _t4(raw, dinv, b, W):
    return pl.pallas_call(
        _t4_body,
        grid=(NC, NMB),
        in_specs=[
            pl.BlockSpec((NC, MB, H // NC), lambda c, m: (0, m, 0)),
            pl.BlockSpec((MB, 1), lambda c, m: (m, 0)),
            pl.BlockSpec((1, H), lambda c, m: (0, 0)),
            pl.BlockSpec((H, H // NC), lambda c, m: (0, c)),
        ],
        out_specs=pl.BlockSpec((1, MB, H // NC), lambda c, m: (c, m, 0)),
        out_shape=jax.ShapeDtypeStruct((NC, N, H // NC), jnp.float32),
    )(raw, dinv, b, W)


def _t3_body(glob_ref, wfc_ref, bfc_ref, w2b_ref, g2_ref):
    gi = jnp.dot(glob_ref[...], wfc_ref[...],
                 preferred_element_type=jnp.float32) + bfc_ref[...]
    g2_ref[...] = jnp.dot(gi, w2b_ref[...],
                          preferred_element_type=jnp.float32)


@jax.jit
def _t3(glob, Wfc, bfc, W2b):
    return pl.pallas_call(
        _t3_body,
        out_shape=jax.ShapeDtypeStruct((B, H), jnp.float32),
    )(glob, Wfc, bfc, W2b)


def _t5_body(raw_ref, dinv_ref, b_ref, w_ref, g2_ref, oh_ref, hws_ref):
    dinv = dinv_ref[...]
    h = jax.nn.relu(
        dinv * jnp.concatenate([raw_ref[0], raw_ref[1]], axis=-1) + b_ref[...])
    mm = jnp.dot(h, w_ref[...], preferred_element_type=jnp.float32)
    gb = jnp.dot(oh_ref[...], g2_ref[...], preferred_element_type=jnp.float32)
    hws_ref[0] = dinv * (mm + gb)


@jax.jit
def _t5(raw, dinv, b1, W2t, G2, onehot):
    return pl.pallas_call(
        _t5_body,
        grid=(NC, NMB),
        in_specs=[
            pl.BlockSpec((NC, MB, H // NC), lambda c, m: (0, m, 0)),
            pl.BlockSpec((MB, 1), lambda c, m: (m, 0)),
            pl.BlockSpec((1, H), lambda c, m: (0, 0)),
            pl.BlockSpec((H, H // NC), lambda c, m: (0, c)),
            pl.BlockSpec((B, H // NC), lambda c, m: (0, c)),
            pl.BlockSpec((MB, B), lambda c, m: (m, 0)),
        ],
        out_specs=pl.BlockSpec((1, MB, H // NC), lambda c, m: (c, m, 0)),
        out_shape=jax.ShapeDtypeStruct((NC, N, H // NC), jnp.float32),
    )(raw, dinv, b1, W2t, G2, onehot)


def _t6_body(raw_ref, dinv_ref, b_ref, w_ref, hws_ref):
    dinv = dinv_ref[...]
    h = jax.nn.relu(
        dinv * jnp.concatenate([raw_ref[0], raw_ref[1]], axis=-1) + b_ref[...])
    hws_ref[0] = dinv * jnp.dot(h, w_ref[...],
                                preferred_element_type=jnp.float32)


@jax.jit
def _t6(raw, dinv, b2, W3p):
    return pl.pallas_call(
        _t6_body,
        grid=(NC, NMB),
        in_specs=[
            pl.BlockSpec((NC, MB, H // NC), lambda c, m: (0, m, 0)),
            pl.BlockSpec((MB, 1), lambda c, m: (m, 0)),
            pl.BlockSpec((1, H), lambda c, m: (0, 0)),
            pl.BlockSpec((H, H // NC), lambda c, m: (0, 0)),
        ],
        out_specs=pl.BlockSpec((1, MB, H // NC), lambda c, m: (c, m, 0)),
        out_shape=jax.ShapeDtypeStruct((NC, N, H // NC), jnp.float32),
    )(raw, dinv, b2, W3p)


def _t7_body(raw_ref, dinv_ref, b3_ref, out_ref):
    v = dinv_ref[...] * raw_ref[0, :, 0:1] + b3_ref[...]
    out_ref[...] = v


@jax.jit
def _t7(raw3, dinv, b3):
    return pl.pallas_call(
        _t7_body,
        grid=(NMB,),
        in_specs=[
            pl.BlockSpec((1, MB, H // NC), lambda m: (0, m, 0)),
            pl.BlockSpec((MB, 1), lambda m: (m, 0)),
            pl.BlockSpec((1, 1), lambda m: (0, 0)),
        ],
        out_specs=pl.BlockSpec((MB, 1), lambda m: (m, 0)),
        out_shape=jax.ShapeDtypeStruct((N, 1), jnp.float32),
    )(raw3, dinv, b3)



def kernel(x, edge_index, batch, W0, b0, W1, b1, Wfc, bfc, W2, b2, W3, b3):
    src = edge_index[0]
    dst = edge_index[1]
    srcp = jnp.pad(src.reshape(NS, EPT), ((0, 0), (0, EPTP - EPT)))
    src2 = jnp.stack([srcp, srcp + N]).reshape(-1)
    dst_r = jnp.pad(dst.reshape(NS, EPT), ((0, 0), (0, EPTP - EPT)),
                    constant_values=N).reshape(-1)
    onehot = (batch[:, None] == jnp.arange(B)[None, :]).astype(jnp.float32)
    zeros16 = jnp.zeros((N, 128), jnp.float32)
    ones_k = jnp.ones((K, 128), jnp.float32)
    W3p = jnp.pad(W3, ((0, 0), (0, H // NC - 1)))
    b0r = b0.reshape(1, H)
    b1r = b1.reshape(1, H)
    b2r = b2.reshape(1, H)
    bfr = bfc.reshape(1, H)
    b3r = b3.reshape(1, 1)
    W2t = W2[:H]
    W2b = W2[H:]

    deg_raw = _deg_sc(dst_r, zeros16, ones_k)
    dcol = deg_raw[0, :, 0:1]

    hws0, dinv = _t1(x, W0, dcol)
    raw0 = _spmm_sc(hws0.reshape(NC * N, H // NC), src2, dst_r, H // NC)
    hws1, glob = _t2(raw0, dinv, b0r, W1, onehot)
    g2 = _t3(glob, Wfc, bfr, W2b)
    raw1 = _spmm_sc(hws1.reshape(NC * N, H // NC), src2, dst_r, H // NC)
    hws1b = _t4(raw1, dinv, b1r, W1)
    raw1b = _spmm_sc(hws1b.reshape(NC * N, H // NC), src2, dst_r, H // NC)
    hws2 = _t5(raw1b, dinv, b1r, W2t, g2, onehot)
    raw2 = _spmm_sc(hws2.reshape(NC * N, H // NC), src2, dst_r, H // NC)
    hws3 = _t6(raw2, dinv, b2r, W3p)
    raw3 = _spmm_sc(hws3.reshape(NC * N, H // NC), src2, dst_r, H // NC)
    return _t7(raw3, dinv, b3r)

# --- scband reference (transcript-rebuilt; emitter-appended) ---
"""Pipeline reference for scband-gnn-gumbel-selector-24567212933208 (READ-ONLY COPY).

The authoritative reference and input builder live on the scoring server;
editing this copy changes nothing except your own understanding.
"""

import jax, jax.numpy as jnp
import numpy as np

N = 10000
E = 320000
F = 128
H = 256  # hidden = feature_size * 2
B = 8    # number of graphs in the batch


def setup_inputs(seed: int = 0) -> dict:
    key = jax.random.key(seed)
    ks = jax.random.split(key, 14)
    x = jax.random.normal(ks[0], (N, F), dtype=jnp.float32)
    edge_index = jax.random.randint(ks[1], (2, E), 0, N, dtype=jnp.int32)
    batch = jnp.sort(jax.random.randint(ks[2], (N,), 0, B, dtype=jnp.int32))
    # GCNConv weights (in_channels -> out_channels) + bias
    W0 = jax.random.normal(ks[3], (F, H), dtype=jnp.float32) * (1.0 / np.sqrt(F))
    b0 = jnp.zeros((H,), dtype=jnp.float32)
    W1 = jax.random.normal(ks[4], (H, H), dtype=jnp.float32) * (1.0 / np.sqrt(H))
    b1 = jnp.zeros((H,), dtype=jnp.float32)
    Wfc = jax.random.normal(ks[5], (H, H), dtype=jnp.float32) * (1.0 / np.sqrt(H))
    bfc = jnp.zeros((H,), dtype=jnp.float32)
    W2 = jax.random.normal(ks[6], (2 * H, H), dtype=jnp.float32) * (1.0 / np.sqrt(2 * H))
    b2 = jnp.zeros((H,), dtype=jnp.float32)
    W3 = jax.random.normal(ks[7], (H, 1), dtype=jnp.float32) * (1.0 / np.sqrt(H))
    b3 = jnp.zeros((1,), dtype=jnp.float32)
    return {"x": x, "edge_index": edge_index, "batch": batch,
            "W0": W0, "b0": b0, "W1": W1, "b1": b1,
            "Wfc": Wfc, "bfc": bfc, "W2": W2, "b2": b2,
            "W3": W3, "b3": b3}


def _gcn_conv(h, W, b, src, dst, n_nodes):
    # GCNConv with added self-loops and symmetric normalization
    hw = h @ W
    deg = jnp.zeros((n_nodes,), hw.dtype).at[dst].add(1.0) + 1.0  # +1 for self-loop
    dinv = jax.lax.rsqrt(deg)
    coef = dinv[src] * dinv[dst]
    out = jnp.zeros((n_nodes, hw.shape[1]), hw.dtype).at[dst].add(hw[src] * coef[:, None])
    out = out + hw * (dinv * dinv)[:, None]  # self-loop messages
    return out + b


def reference(x, edge_index, batch, W0, b0, W1, b1, Wfc, bfc, W2, b2, W3, b3):
    src = edge_index[0]
    dst = edge_index[1]
    n_nodes = x.shape[0]
    # conv0 + relu
    h0 = jax.nn.relu(_gcn_conv(x, W0, b0, src, dst, n_nodes))
    # global_max_pool over graphs, then fc1
    glob = jax.ops.segment_max(h0, batch, num_segments=B)
    global_info = glob @ Wfc + bfc
    # conv1 applied twice (shared weights, as in the torch module)
    h1 = jax.nn.relu(_gcn_conv(h0, W1, b1, src, dst, n_nodes))
    h1 = jax.nn.relu(_gcn_conv(h1, W1, b1, src, dst, n_nodes))
    # ConcatenateLayer: cat(local_x, global_info broadcast per graph) -> [N, 4f]
    cat = jnp.concatenate([h1, global_info[batch]], axis=-1)
    # dropout is identity in eval / deterministic reference
    h2 = jax.nn.relu(_gcn_conv(cat, W2, b2, src, dst, n_nodes))
    logits = _gcn_conv(h2, W3, b3, src, dst, n_nodes)
    return logits

if __name__ == "__main__":
    import jax
    _d = setup_inputs()
    print(jax.jit(kernel)(*tuple(_d.values())))

</pallas_src>

<mosaic_0001>
#map = affine_map<(d0, d1) -> (0)>
#map1 = affine_map<(d0, d1) -> (0, 0)>
#map2 = affine_map<(d0, d1) -> (0, 0, 0)>
module attributes {stable_mosaic.version = 14 : i64} {
  func.func @_deg_body(%arg0: i32, %arg1: i32, %arg2: memref<321536xi32, #tpu.memory_space<hbm>>, %arg3: memref<10000x128xf32, #tpu.memory_space<hbm>>, %arg4: memref<128x128xf32, #tpu.memory_space<hbm>>, %arg5: memref<2x10000x128xf32, #tpu.memory_space<hbm>>, %arg6: memref<10008x128xf32, #tpu.memory_space<vmem_shared>>, %arg7: memref<128x128xf32, #tpu.memory_space<vmem>>, %arg8: memref<128xi32, #tpu.memory_space<vmem>>, %arg9: memref<128xi32, #tpu.memory_space<vmem>>, %arg10: memref<128xi32, #tpu.memory_space<vmem>>, %arg11: memref<128xi32, #tpu.memory_space<vmem>>, %arg12: memref<!tpu.dma_semaphore, #tpu.memory_space<semaphore_mem>>, %arg13: memref<!tpu.dma_semaphore, #tpu.memory_space<semaphore_mem>>, %arg14: memref<!tpu.dma_semaphore, #tpu.memory_space<semaphore_mem>>, %arg15: memref<!tpu.dma_semaphore, #tpu.memory_space<semaphore_mem>>, %arg16: memref<!tpu.dma_semaphore, #tpu.memory_space<semaphore_mem>>, %arg17: memref<!tpu.dma_semaphore, #tpu.memory_space<semaphore_mem>>, %arg18: memref<!tpu.dma_semaphore, #tpu.memory_space<semaphore_mem>>, %arg19: memref<!tpu.dma_semaphore, #tpu.memory_space<semaphore_mem>>) attributes {dimension_semantics = [#tpu.dimension_semantics<core_parallel>, #tpu.dimension_semantics<subcore_parallel>], iteration_bounds = array<i64: 2, 16>, scalar_prefetch = 0 : i64, scratch_operands = 14 : i64, tpu.core_type = #tpu.core_type<sc_vector_subcore>, window_params = [{transform_indices = #map}, {transform_indices = #map1}, {transform_indices = #map1}, {transform_indices = #map2}]} {
    %lt3A = arith.constant 15 : i32
    %lt3A_0 = arith.cmpi slt, %arg1, %lt3A : i32
    %convert_element_type3A = arith.extui %lt3A_0 : i1 to i32
    %cond3A = arith.constant 0 : i32
    %cond3A_1 = arith.cmpi ne, %convert_element_type3A, %cond3A : i32
    scf.if %cond3A_1 {
      %mul3A_52 = arith.constant 632 : i32
      %mul3A_53 = arith.muli %arg1, %mul3A_52 : i32
      %multiple_of3A_54 = tpu.assume_multiple %mul3A_53, 8 : i32
      "tpu.region"() ({
        %run_scoped3A = tpu.sem_alloc : memref<!tpu.dma_semaphore, #tpu.memory_space<semaphore_mem>>
        %dma_start3A_55 = arith.constant 0 : i32
        %dma_start3A_56 = tpu.memref_slice %arg6[%multiple_of3A_54, %dma_start3A_55] : memref<10008x128xf32, #tpu.memory_space<vmem_shared>> -> memref<632x128xf32, #tpu.memory_space<vmem_shared>>
        %dma_start3A_57 = arith.constant 0 : i32
        %dma_start3A_58 = tpu.memref_slice %arg3[%multiple_of3A_54, %dma_start3A_57] : memref<10000x128xf32, #tpu.memory_space<hbm>> -> memref<632x128xf32, #tpu.memory_space<hbm>>
        tpu.enqueue_dma source(%dma_start3A_58 : memref<632x128xf32, #tpu.memory_space<hbm>>) target(%dma_start3A_56 : memref<632x128xf32, #tpu.memory_space<vmem_shared>>) target_semaphore(%run_scoped3A : memref<!tpu.dma_semaphore, #tpu.memory_space<semaphore_mem>>)
        %dma_wait3A_59 = arith.constant 0 : i32
        %dma_wait3A_60 = tpu.memref_slice %arg6[%multiple_of3A_54, %dma_wait3A_59] : memref<10008x128xf32, #tpu.memory_space<vmem_shared>> -> memref<632x128xf32, #tpu.memory_space<vmem_shared>>
        %dma_wait3A_61 = arith.constant 0 : i32
        %dma_wait3A_62 = tpu.memref_slice %arg3[%multiple_of3A_54, %dma_wait3A_61] : memref<10000x128xf32, #tpu.memory_space<hbm>> -> memref<632x128xf32, #tpu.memory_space<hbm>>
        tpu.wait_dma2 semaphore(%run_scoped3A : memref<!tpu.dma_semaphore, #tpu.memory_space<semaphore_mem>>) src(%dma_wait3A_62 : memref<632x128xf32, #tpu.memory_space<hbm>>) dst(%dma_wait3A_60 : memref<632x128xf32, #tpu.memory_space<vmem_shared>>)
        tpu.yield
      }) : () -> ()
    } else {
    }
    %eq3A = arith.constant 15 : i32
    %eq3A_2 = arith.cmpi eq, %arg1, %eq3A : i32
    %convert_element_type3A_3 = arith.extui %eq3A_2 : i1 to i32
    %cond3A_4 = arith.constant 0 : i32
    %cond3A_5 = arith.cmpi ne, %convert_element_type3A_3, %cond3A_4 : i32
    scf.if %cond3A_5 {
      "tpu.region"() ({
        %run_scoped3A = tpu.sem_alloc : memref<!tpu.dma_semaphore, #tpu.memory_space<semaphore_mem>>
        %dma_start3A_52 = arith.constant 9480 : i32
        %dma_start3A_53 = arith.constant 0 : i32
        %dma_start3A_54 = tpu.memref_slice %arg6[%dma_start3A_52, %dma_start3A_53] : memref<10008x128xf32, #tpu.memory_space<vmem_shared>> -> memref<520x128xf32, #tpu.memory_space<vmem_shared>>
        %dma_start3A_55 = arith.constant 9480 : i32
        %dma_start3A_56 = arith.constant 0 : i32
        %dma_start3A_57 = tpu.memref_slice %arg3[%dma_start3A_55, %dma_start3A_56] : memref<10000x128xf32, #tpu.memory_space<hbm>> -> memref<520x128xf32, #tpu.memory_space<hbm>>
        tpu.enqueue_dma source(%dma_start3A_57 : memref<520x128xf32, #tpu.memory_space<hbm>>) target(%dma_start3A_54 : memref<520x128xf32, #tpu.memory_space<vmem_shared>>) target_semaphore(%run_scoped3A : memref<!tpu.dma_semaphore, #tpu.memory_space<semaphore_mem>>)
        %dma_wait3A_58 = arith.constant 9480 : i32
        %dma_wait3A_59 = arith.constant 0 : i32
        %dma_wait3A_60 = tpu.memref_slice %arg6[%dma_wait3A_58, %dma_wait3A_59] : memref<10008x128xf32, #tpu.memory_space<vmem_shared>> -> memref<520x128xf32, #tpu.memory_space<vmem_shared>>
        %dma_wait3A_61 = arith.constant 9480 : i32
        %dma_wait3A_62 = arith.constant 0 : i32
        %dma_wait3A_63 = tpu.memref_slice %arg3[%dma_wait3A_61, %dma_wait3A_62] : memref<10000x128xf32, #tpu.memory_space<hbm>> -> memref<520x128xf32, #tpu.memory_space<hbm>>
        tpu.wait_dma2 semaphore(%run_scoped3A : memref<!tpu.dma_semaphore, #tpu.memory_space<semaphore_mem>>) src(%dma_wait3A_63 : memref<520x128xf32, #tpu.memory_space<hbm>>) dst(%dma_wait3A_60 : memref<520x128xf32, #tpu.memory_space<vmem_shared>>)
        tpu.yield
      }) : () -> ()
    } else {
    }
    "tpu.region"() ({
      %run_scoped3A = tpu.sem_alloc : memref<!tpu.dma_semaphore, #tpu.memory_space<semaphore_mem>>
      tpu.enqueue_dma source(%arg4 : memref<128x128xf32, #tpu.memory_space<hbm>>) target(%arg7 : memref<128x128xf32, #tpu.memory_space<vmem>>) target_semaphore(%run_scoped3A : memref<!tpu.dma_semaphore, #tpu.memory_space<semaphore_mem>>)
      tpu.wait_dma2 semaphore(%run_scoped3A : memref<!tpu.dma_semaphore, #tpu.memory_space<semaphore_mem>>) src(%arg4 : memref<128x128xf32, #tpu.memory_space<hbm>>) dst(%arg7 : memref<128x128xf32, #tpu.memory_space<vmem>>)
      tpu.yield
    }) : () -> ()
    %barrier3A = arith.constant 0 : index
    tpu.barrier barrier_id(%barrier3A)
    %mul3A = arith.constant 20096 : i32
    %mul3A_6 = arith.muli %arg1, %mul3A : i32
    %add3A = arith.constant 0 : i32
    %add3A_7 = arith.addi %mul3A_6, %add3A : i32
    %multiple_of3A = tpu.assume_multiple %add3A_7, 8 : i32
    %dma_start3A = tpu.memref_slice %arg2[%multiple_of3A] : memref<321536xi32, #tpu.memory_space<hbm>> -> memref<128xi32, #tpu.memory_space<hbm>>
    %dma_start3A_8 = tpu.memref_slice %arg2[%multiple_of3A] : memref<321536xi32, #tpu.memory_space<hbm>> -> memref<128xi32, #tpu.memory_space<hbm>>
    tpu.enqueue_dma source(%dma_start3A_8 : memref<128xi32, #tpu.memory_space<hbm>>) target(%arg8 : memref<128xi32, #tpu.memory_space<vmem>>) target_semaphore(%arg12 : memref<!tpu.dma_semaphore, #tpu.memory_space<semaphore_mem>>)
    %mul3A_9 = arith.constant 20096 : i32
    %mul3A_10 = arith.muli %arg1, %mul3A_9 : i32
    %add3A_11 = arith.constant 128 : i32
    %add3A_12 = arith.addi %mul3A_10, %add3A_11 : i32
    %multiple_of3A_13 = tpu.assume_multiple %add3A_12, 8 : i32
    %dma_start3A_14 = tpu.memref_slice %arg2[%multiple_of3A_13] : memref<321536xi32, #tpu.memory_space<hbm>> -> memref<128xi32, #tpu.memory_space<hbm>>
    %dma_start3A_15 = tpu.memref_slice %arg2[%multiple_of3A_13] : memref<321536xi32, #tpu.memory_space<hbm>> -> memref<128xi32, #tpu.memory_space<hbm>>
    tpu.enqueue_dma source(%dma_start3A_15 : memref<128xi32, #tpu.memory_space<hbm>>) target(%arg9 : memref<128xi32, #tpu.memory_space<vmem>>) target_semaphore(%arg13 : memref<!tpu.dma_semaphore, #tpu.memory_space<semaphore_mem>>)
    %scan3A = arith.constant 0 : i32
    %scan3A_16 = arith.constant 39 : i32
    %scan3A_17 = arith.addi %scan3A, %scan3A_16 : i32
    %scan3A_18 = arith.constant 1 : i32
    scf.for %scan3A_52 = %scan3A to %scan3A_17 step %scan3A_18  : i32 {
      %mul3A_53 = arith.constant 4 : i32
      %mul3A_54 = arith.muli %scan3A_52, %mul3A_53 : i32
      %add3A_55 = arith.constant 0 : i32
      %add3A_56 = arith.addi %add3A_55, %mul3A_54 : i32
      %add3A_57 = arith.constant 0 : i32
      %add3A_58 = arith.addi %add3A_56, %add3A_57 : i32
      %mul3A_59 = arith.constant 20096 : i32
      %mul3A_60 = arith.muli %arg1, %mul3A_59 : i32
      %mul3A_61 = arith.constant 128 : i32
      %mul3A_62 = arith.muli %add3A_58, %mul3A_61 : i32
      %add3A_63 = arith.addi %mul3A_60, %mul3A_62 : i32
      %multiple_of3A_64 = tpu.assume_multiple %add3A_63, 8 : i32
      %dma_wait3A_65 = tpu.memref_slice %arg2[%multiple_of3A_64] : memref<321536xi32, #tpu.memory_space<hbm>> -> memref<128xi32, #tpu.memory_space<hbm>>
      %dma_wait3A_66 = tpu.memref_slice %arg2[%multiple_of3A_64] : memref<321536xi32, #tpu.memory_space<hbm>> -> memref<128xi32, #tpu.memory_space<hbm>>
      tpu.wait_dma2 semaphore(%arg12 : memref<!tpu.dma_semaphore, #tpu.memory_space<semaphore_mem>>) src(%dma_wait3A_66 : memref<128xi32, #tpu.memory_space<hbm>>) dst(%arg8 : memref<128xi32, #tpu.memory_space<vmem>>)
      %dma_start3A_67 = arith.constant 0 : i32
      %dma_start3A_68 = arith.constant 0 : i32
      %dma_start3A_69 = tpu.memref_slice %arg6[%dma_start3A_67, %dma_start3A_68] : memref<10008x128xf32, #tpu.memory_space<vmem_shared>> -> memref<10008x128xf32, #tpu.memory_space<vmem_shared>>
      tpu.enqueue_indirect_dma source(%arg7 : memref<128x128xf32, #tpu.memory_space<vmem>>) target(%dma_start3A_69 : memref<10008x128xf32, #tpu.memory_space<vmem_shared>>) offsets(%arg8 : memref<128xi32, #tpu.memory_space<vmem>>) semaphore(%arg16 : memref<!tpu.dma_semaphore, #tpu.memory_space<semaphore_mem>>) {add = true}
      %add3A_70 = arith.constant 2 : i32
      %add3A_71 = arith.addi %add3A_58, %add3A_70 : i32
      %lt3A_72 = arith.constant 157 : i32
      %lt3A_73 = arith.cmpi slt, %add3A_71, %lt3A_72 : i32
      %convert_element_type3A_74 = arith.extui %lt3A_73 : i1 to i32
      %cond3A_75 = arith.constant 0 : i32
      %cond3A_76 = arith.cmpi ne, %convert_element_type3A_74, %cond3A_75 : i32
      scf.if %cond3A_76 {
        %add3A_137 = arith.constant 2 : i32
        %add3A_138 = arith.addi %add3A_58, %add3A_137 : i32
        %ge3A = arith.constant 4 : i32
        %ge3A_139 = arith.cmpi sge, %add3A_138, %ge3A : i32
        %convert_element_type3A_140 = arith.extui %ge3A_139 : i1 to i32
        %cond3A_141 = arith.constant 0 : i32
        %cond3A_142 = arith.cmpi ne, %convert_element_type3A_140, %cond3A_141 : i32
        scf.if %cond3A_142 {
          %dma_wait3A_151 = arith.constant 0 : i32
          %dma_wait3A_152 = arith.constant 0 : i32
          %dma_wait3A_153 = tpu.memref_slice %arg6[%dma_wait3A_151, %dma_wait3A_152] : memref<10008x128xf32, #tpu.memory_space<vmem_shared>> -> memref<10008x128xf32, #tpu.memory_space<vmem_shared>>
          tpu.wait_indirect_dma semaphore(%arg18 : memref<!tpu.dma_semaphore, #tpu.memory_space<semaphore_mem>>) src(%arg7 : memref<128x128xf32, #tpu.memory_space<vmem>>) dst(%dma_wait3A_153 : memref<10008x128xf32, #tpu.memory_space<vmem_shared>>)
        } else {
        }
        %mul3A_143 = arith.constant 20096 : i32
        %mul3A_144 = arith.muli %arg1, %mul3A_143 : i32
        %mul3A_145 = arith.constant 128 : i32
        %mul3A_146 = arith.muli %add3A_138, %mul3A_145 : i32
        %add3A_147 = arith.addi %mul3A_144, %mul3A_146 : i32
        %multiple_of3A_148 = tpu.assume_multiple %add3A_147, 8 : i32
        %dma_start3A_149 = tpu.memref_slice %arg2[%multiple_of3A_148] : memref<321536xi32, #tpu.memory_space<hbm>> -> memref<128xi32, #tpu.memory_space<hbm>>
        %dma_start3A_150 = tpu.memref_slice %arg2[%multiple_of3A_148] : memref<321536xi32, #tpu.memory_space<hbm>> -> memref<128xi32, #tpu.memory_space<hbm>>
        tpu.enqueue_dma source(%dma_start3A_150 : memref<128xi32, #tpu.memory_space<hbm>>) target(%arg10 : memref<128xi32, #tpu.memory_space<vmem>>) target_semaphore(%arg14 : memref<!tpu.dma_semaphore, #tpu.memory_space<semaphore_mem>>)
      } else {
      }
      %add3A_77 = arith.constant 1 : i32
      %add3A_78 = arith.addi %add3A_56, %add3A_77 : i32
      %mul3A_79 = arith.constant 20096 : i32
      %mul3A_80 = arith.muli %arg1, %mul3A_79 : i32
      %mul3A_81 = arith.constant 128 : i32
      %mul3A_82 = arith.muli %add3A_78, %mul3A_81 : i32
      %add3A_83 = arith.addi %mul3A_80, %mul3A_82 : i32
      %multiple_of3A_84 = tpu.assume_multiple %add3A_83, 8 : i32
      %dma_wait3A_85 = tpu.memref_slice %arg2[%multiple_of3A_84] : memref<321536xi32, #tpu.memory_space<hbm>> -> memref<128xi32, #tpu.memory_space<hbm>>
      %dma_wait3A_86 = tpu.memref_slice %arg2[%multiple_of3A_84] : memref<321536xi32, #tpu.memory_space<hbm>> -> memref<128xi32, #tpu.memory_space<hbm>>
      tpu.wait_dma2 semaphore(%arg13 : memref<!tpu.dma_semaphore, #tpu.memory_space<semaphore_mem>>) src(%dma_wait3A_86 : memref<128xi32, #tpu.memory_space<hbm>>) dst(%arg9 : memref<128xi32, #tpu.memory_space<vmem>>)
      %dma_start3A_87 = arith.constant 0 : i32
      %dma_start3A_88 = arith.constant 0 : i32
      %dma_start3A_89 = tpu.memref_slice %arg6[%dma_start3A_87, %dma_start3A_88] : memref<10008x128xf32, #tpu.memory_space<vmem_shared>> -> memref<10008x128xf32, #tpu.memory_space<vmem_shared>>
      tpu.enqueue_indirect_dma source(%arg7 : memref<128x128xf32, #tpu.memory_space<vmem>>) target(%dma_start3A_89 : memref<10008x128xf32, #tpu.memory_space<vmem_shared>>) offsets(%arg9 : memref<128xi32, #tpu.memory_space<vmem>>) semaphore(%arg17 : memref<!tpu.dma_semaphore, #tpu.memory_space<semaphore_mem>>) {add = true}
      %add3A_90 = arith.constant 2 : i32
      %add3A_91 = arith.addi %add3A_78, %add3A_90 : i32
      %lt3A_92 = arith.constant 157 : i32
      %lt3A_93 = arith.cmpi slt, %add3A_91, %lt3A_92 : i32
      %convert_element_type3A_94 = arith.extui %lt3A_93 : i1 to i32
      %cond3A_95 = arith.constant 0 : i32
      %cond3A_96 = arith.cmpi ne, %convert_element_type3A_94, %cond3A_95 : i32
      scf.if %cond3A_96 {
        %add3A_137 = arith.constant 2 : i32
        %add3A_138 = arith.addi %add3A_78, %add3A_137 : i32
        %ge3A = arith.constant 4 : i32
        %ge3A_139 = arith.cmpi sge, %add3A_138, %ge3A : i32
        %convert_element_type3A_140 = arith.extui %ge3A_139 : i1 to i32
        %cond3A_141 = arith.constant 0 : i32
        %cond3A_142 = arith.cmpi ne, %convert_element_type3A_140, %cond3A_141 : i32
        scf.if %cond3A_142 {
          %dma_wait3A_151 = arith.constant 0 : i32
          %dma_wait3A_152 = arith.constant 0 : i32
          %dma_wait3A_153 = tpu.memref_slice %arg6[%dma_wait3A_151, %dma_wait3A_152] : memref<10008x128xf32, #tpu.memory_space<vmem_shared>> -> memref<10008x128xf32, #tpu.memory_space<vmem_shared>>
          tpu.wait_indirect_dma semaphore(%arg19 : memref<!tpu.dma_semaphore, #tpu.memory_space<semaphore_mem>>) src(%arg7 : memref<128x128xf32, #tpu.memory_space<vmem>>) dst(%dma_wait3A_153 : memref<10008x128xf32, #tpu.memory_space<vmem_shared>>)
        } else {
        }
        %mul3A_143 = arith.constant 20096 : i32
        %mul3A_144 = arith.muli %arg1, %mul3A_143 : i32
        %mul3A_145 = arith.constant 128 : i32
        %mul3A_146 = arith.muli %add3A_138, %mul3A_145 : i32
        %add3A_147 = arith.addi %mul3A_144, %mul3A_146 : i32
        %multiple_of3A_148 = tpu.assume_multiple %add3A_147, 8 : i32
        %dma_start3A_149 = tpu.memref_slice %arg2[%multiple_of3A_148] : memref<321536xi32, #tpu.memory_space<hbm>> -> memref<128xi32, #tpu.memory_space<hbm>>
        %dma_start3A_150 = tpu.memref_slice %arg2[%multiple_of3A_148] : memref<321536xi32, #tpu.memory_space<hbm>> -> memref<128xi32, #tpu.memory_space<hbm>>
        tpu.enqueue_dma source(%dma_start3A_150 : memref<128xi32, #tpu.memory_space<hbm>>) target(%arg11 : memref<128xi32, #tpu.memory_space<vmem>>) target_semaphore(%arg15 : memref<!tpu.dma_semaphore, #tpu.memory_space<semaphore_mem>>)
      } else {
      }
      %add3A_97 = arith.constant 2 : i32
      %add3A_98 = arith.addi %add3A_56, %add3A_97 : i32
      %mul3A_99 = arith.constant 20096 : i32
      %mul3A_100 = arith.muli %arg1, %mul3A_99 : i32
      %mul3A_101 = arith.constant 128 : i32
      %mul3A_102 = arith.muli %add3A_98, %mul3A_101 : i32
      %add3A_103 = arith.addi %mul3A_100, %mul3A_102 : i32
      %multiple_of3A_104 = tpu.assume_multiple %add3A_103, 8 : i32
      %dma_wait3A_105 = tpu.memref_slice %arg2[%multiple_of3A_104] : memref<321536xi32, #tpu.memory_space<hbm>> -> memref<128xi32, #tpu.memory_space<hbm>>
      %dma_wait3A_106 = tpu.memref_slice %arg2[%multiple_of3A_104] : memref<321536xi32, #tpu.memory_space<hbm>> -> memref<128xi32, #tpu.memory_space<hbm>>
      tpu.wait_dma2 semaphore(%arg14 : memref<!tpu.dma_semaphore, #tpu.memory_space<semaphore_mem>>) src(%dma_wait3A_106 : memref<128xi32, #tpu.memory_space<hbm>>) dst(%arg10 : memref<128xi32, #tpu.memory_space<vmem>>)
      %dma_start3A_107 = arith.constant 0 : i32
      %dma_start3A_108 = arith.constant 0 : i32
      %dma_start3A_109 = tpu.memref_slice %arg6[%dma_start3A_107, %dma_start3A_108] : memref<10008x128xf32, #tpu.memory_space<vmem_shared>> -> memref<10008x128xf32, #tpu.memory_space<vmem_shared>>
      tpu.enqueue_indirect_dma source(%arg7 : memref<128x128xf32, #tpu.memory_space<vmem>>) target(%dma_start3A_109 : memref<10008x128xf32, #tpu.memory_space<vmem_shared>>) offsets(%arg10 : memref<128xi32, #tpu.memory_space<vmem>>) semaphore(%arg18 : memref<!tpu.dma_semaphore, #tpu.memory_space<semaphore_mem>>) {add = true}
      %add3A_110 = arith.constant 2 : i32
      %add3A_111 = arith.addi %add3A_98, %add3A_110 : i32
      %lt3A_112 = arith.constant 157 : i32
      %lt3A_113 = arith.cmpi slt, %add3A_111, %lt3A_112 : i32
      %convert_element_type3A_114 = arith.extui %lt3A_113 : i1 to i32
      %cond3A_115 = arith.constant 0 : i32
      %cond3A_116 = arith.cmpi ne, %convert_element_type3A_114, %cond3A_115 : i32
      scf.if %cond3A_116 {
        %add3A_137 = arith.constant 2 : i32
        %add3A_138 = arith.addi %add3A_98, %add3A_137 : i32
        %ge3A = arith.constant 4 : i32
        %ge3A_139 = arith.cmpi sge, %add3A_138, %ge3A : i32
        %convert_element_type3A_140 = arith.extui %ge3A_139 : i1 to i32
        %cond3A_141 = arith.constant 0 : i32
        %cond3A_142 = arith.cmpi ne, %convert_element_type3A_140, %cond3A_141 : i32
        scf.if %cond3A_142 {
          %dma_wait3A_151 = arith.constant 0 : i32
          %dma_wait3A_152 = arith.constant 0 : i32
          %dma_wait3A_153 = tpu.memref_slice %arg6[%dma_wait3A_151, %dma_wait3A_152] : memref<10008x128xf32, #tpu.memory_space<vmem_shared>> -> memref<10008x128xf32, #tpu.memory_space<vmem_shared>>
          tpu.wait_indirect_dma semaphore(%arg16 : memref<!tpu.dma_semaphore, #tpu.memory_space<semaphore_mem>>) src(%arg7 : memref<128x128xf32, #tpu.memory_space<vmem>>) dst(%dma_wait3A_153 : memref<10008x128xf32, #tpu.memory_space<vmem_shared>>)
        } else {
        }
        %mul3A_143 = arith.constant 20096 : i32
        %mul3A_144 = arith.muli %arg1, %mul3A_143 : i32
        %mul3A_145 = arith.constant 128 : i32
        %mul3A_146 = arith.muli %add3A_138, %mul3A_145 : i32
        %add3A_147 = arith.addi %mul3A_144, %mul3A_146 : i32
        %multiple_of3A_148 = tpu.assume_multiple %add3A_147, 8 : i32
        %dma_start3A_149 = tpu.memref_slice %arg2[%multiple_of3A_148] : memref<321536xi32, #tpu.memory_space<hbm>> -> memref<128xi32, #tpu.memory_space<hbm>>
        %dma_start3A_150 = tpu.memref_slice %arg2[%multiple_of3A_148] : memref<321536xi32, #tpu.memory_space<hbm>> -> memref<128xi32, #tpu.memory_space<hbm>>
        tpu.enqueue_dma source(%dma_start3A_150 : memref<128xi32, #tpu.memory_space<hbm>>) target(%arg8 : memref<128xi32, #tpu.memory_space<vmem>>) target_semaphore(%arg12 : memref<!tpu.dma_semaphore, #tpu.memory_space<semaphore_mem>>)
      } else {
      }
      %add3A_117 = arith.constant 3 : i32
      %add3A_118 = arith.addi %add3A_56, %add3A_117 : i32
      %mul3A_119 = arith.constant 20096 : i32
      %mul3A_120 = arith.muli %arg1, %mul3A_119 : i32
      %mul3A_121 = arith.constant 128 : i32
      %mul3A_122 = arith.muli %add3A_118, %mul3A_121 : i32
      %add3A_123 = arith.addi %mul3A_120, %mul3A_122 : i32
      %multiple_of3A_124 = tpu.assume_multiple %add3A_123, 8 : i32
      %dma_wait3A_125 = tpu.memref_slice %arg2[%multiple_of3A_124] : memref<321536xi32, #tpu.memory_space<hbm>> -> memref<128xi32, #tpu.memory_space<hbm>>
      %dma_wait3A_126 = tpu.memref_slice %arg2[%multiple_of3A_124] : memref<321536xi32, #tpu.memory_space<hbm>> -> memref<128xi32, #tpu.memory_space<hbm>>
      tpu.wait_dma2 semaphore(%arg15 : memref<!tpu.dma_semaphore, #tpu.memory_space<semaphore_mem>>) src(%dma_wait3A_126 : memref<128xi32, #tpu.memory_space<hbm>>) dst(%arg11 : memref<128xi32, #tpu.memory_space<vmem>>)
      %dma_start3A_127 = arith.constant 0 : i32
      %dma_start3A_128 = arith.constant 0 : i32
      %dma_start3A_129 = tpu.memref_slice %arg6[%dma_start3A_127, %dma_start3A_128] : memref<10008x128xf32, #tpu.memory_space<vmem_shared>> -> memref<10008x128xf32, #tpu.memory_space<vmem_shared>>
      tpu.enqueue_indirect_dma source(%arg7 : memref<128x128xf32, #tpu.memory_space<vmem>>) target(%dma_start3A_129 : memref<10008x128xf32, #tpu.memory_space<vmem_shared>>) offsets(%arg11 : memref<128xi32, #tpu.memory_space<vmem>>) semaphore(%arg19 : memref<!tpu.dma_semaphore, #tpu.memory_space<semaphore_mem>>) {add = true}
      %add3A_130 = arith.constant 2 : i32
      %add3A_131 = arith.addi %add3A_118, %add3A_130 : i32
      %lt3A_132 = arith.constant 157 : i32
      %lt3A_133 = arith.cmpi slt, %add3A_131, %lt3A_132 : i32
      %convert_element_type3A_134 = arith.extui %lt3A_133 : i1 to i32
      %cond3A_135 = arith.constant 0 : i32
      %cond3A_136 = arith.cmpi ne, %convert_element_type3A_134, %cond3A_135 : i32
      scf.if %cond3A_136 {
        %add3A_137 = arith.constant 2 : i32
        %add3A_138 = arith.addi %add3A_118, %add3A_137 : i32
        %ge3A = arith.constant 4 : i32
        %ge3A_139 = arith.cmpi sge, %add3A_138, %ge3A : i32
        %convert_element_type3A_140 = arith.extui %ge3A_139 : i1 to i32
        %cond3A_141 = arith.constant 0 : i32
        %cond3A_142 = arith.cmpi ne, %convert_element_type3A_140, %cond3A_141 : i32
        scf.if %cond3A_142 {
          %dma_wait3A_151 = arith.constant 0 : i32
          %dma_wait3A_152 = arith.constant 0 : i32
          %dma_wait3A_153 = tpu.memref_slice %arg6[%dma_wait3A_151, %dma_wait3A_152] : memref<10008x128xf32, #tpu.memory_space<vmem_shared>> -> memref<10008x128xf32, #tpu.memory_space<vmem_shared>>
          tpu.wait_indirect_dma semaphore(%arg17 : memref<!tpu.dma_semaphore, #tpu.memory_space<semaphore_mem>>) src(%arg7 : memref<128x128xf32, #tpu.memory_space<vmem>>) dst(%dma_wait3A_153 : memref<10008x128xf32, #tpu.memory_space<vmem_shared>>)
        } else {
        }
        %mul3A_143 = arith.constant 20096 : i32
        %mul3A_144 = arith.muli %arg1, %mul3A_143 : i32
        %mul3A_145 = arith.constant 128 : i32
        %mul3A_146 = arith.muli %add3A_138, %mul3A_145 : i32
        %add3A_147 = arith.addi %mul3A_144, %mul3A_146 : i32
        %multiple_of3A_148 = tpu.assume_multiple %add3A_147, 8 : i32
        %dma_start3A_149 = tpu.memref_slice %arg2[%multiple_of3A_148] : memref<321536xi32, #tpu.memory_space<hbm>> -> memref<128xi32, #tpu.memory_space<hbm>>
        %dma_start3A_150 = tpu.memref_slice %arg2[%multiple_of3A_148] : memref<321536xi32, #tpu.memory_space<hbm>> -> memref<128xi32, #tpu.memory_space<hbm>>
        tpu.enqueue_dma source(%dma_start3A_150 : memref<128xi32, #tpu.memory_space<hbm>>) target(%arg9 : memref<128xi32, #tpu.memory_space<vmem>>) target_semaphore(%arg13 : memref<!tpu.dma_semaphore, #tpu.memory_space<semaphore_mem>>)
      } else {
      }
    }
    %scan3A_19 = arith.constant 39 : i32
    %mul3A_20 = arith.constant 20096 : i32
    %mul3A_21 = arith.muli %arg1, %mul3A_20 : i32
    %add3A_22 = arith.constant 19968 : i32
    %add3A_23 = arith.addi %mul3A_21, %add3A_22 : i32
    %multiple_of3A_24 = tpu.assume_multiple %add3A_23, 8 : i32
    %dma_wait3A = tpu.memref_slice %arg2[%multiple_of3A_24] : memref<321536xi32, #tpu.memory_space<hbm>> -> memref<128xi32, #tpu.memory_space<hbm>>
    %dma_wait3A_25 = tpu.memref_slice %arg2[%multiple_of3A_24] : memref<321536xi32, #tpu.memory_space<hbm>> -> memref<128xi32, #tpu.memory_space<hbm>>
    tpu.wait_dma2 semaphore(%arg12 : memref<!tpu.dma_semaphore, #tpu.memory_space<semaphore_mem>>) src(%dma_wait3A_25 : memref<128xi32, #tpu.memory_space<hbm>>) dst(%arg8 : memref<128xi32, #tpu.memory_space<vmem>>)
    %dma_start3A_26 = arith.constant 0 : i32
    %dma_start3A_27 = arith.constant 0 : i32
    %dma_start3A_28 = tpu.memref_slice %arg6[%dma_start3A_26, %dma_start3A_27] : memref<10008x128xf32, #tpu.memory_space<vmem_shared>> -> memref<10008x128xf32, #tpu.memory_space<vmem_shared>>
    tpu.enqueue_indirect_dma source(%arg7 : memref<128x128xf32, #tpu.memory_space<vmem>>) target(%dma_start3A_28 : memref<10008x128xf32, #tpu.memory_space<vmem_shared>>) offsets(%arg8 : memref<128xi32, #tpu.memory_space<vmem>>) semaphore(%arg16 : memref<!tpu.dma_semaphore, #tpu.memory_space<semaphore_mem>>) {add = true}
    %dma_wait3A_29 = arith.constant 0 : i32
    %dma_wait3A_30 = arith.constant 0 : i32
    %dma_wait3A_31 = tpu.memref_slice %arg6[%dma_wait3A_29, %dma_wait3A_30] : memref<10008x128xf32, #tpu.memory_space<vmem_shared>> -> memref<10008x128xf32, #tpu.memory_space<vmem_shared>>
    tpu.wait_indirect_dma semaphore(%arg17 : memref<!tpu.dma_semaphore, #tpu.memory_space<semaphore_mem>>) src(%arg7 : memref<128x128xf32, #tpu.memory_space<vmem>>) dst(%dma_wait3A_31 : memref<10008x128xf32, #tpu.memory_space<vmem_shared>>)
    %dma_wait3A_32 = arith.constant 0 : i32
    %dma_wait3A_33 = arith.constant 0 : i32
    %dma_wait3A_34 = tpu.memref_slice %arg6[%dma_wait3A_32, %dma_wait3A_33] : memref<10008x128xf32, #tpu.memory_space<vmem_shared>> -> memref<10008x128xf32, #tpu.memory_space<vmem_shared>>
    tpu.wait_indirect_dma semaphore(%arg18 : memref<!tpu.dma_semaphore, #tpu.memory_space<semaphore_mem>>) src(%arg7 : memref<128x128xf32, #tpu.memory_space<vmem>>) dst(%dma_wait3A_34 : memref<10008x128xf32, #tpu.memory_space<vmem_shared>>)
    %dma_wait3A_35 = arith.constant 0 : i32
    %dma_wait3A_36 = arith.constant 0 : i32
    %dma_wait3A_37 = tpu.memref_slice %arg6[%dma_wait3A_35, %dma_wait3A_36] : memref<10008x128xf32, #tpu.memory_space<vmem_shared>> -> memref<10008x128xf32, #tpu.memory_space<vmem_shared>>
    tpu.wait_indirect_dma semaphore(%arg19 : memref<!tpu.dma_semaphore, #tpu.memory_space<semaphore_mem>>) src(%arg7 : memref<128x128xf32, #tpu.memory_space<vmem>>) dst(%dma_wait3A_37 : memref<10008x128xf32, #tpu.memory_space<vmem_shared>>)
    %dma_wait3A_38 = arith.constant 0 : i32
    %dma_wait3A_39 = arith.constant 0 : i32
    %dma_wait3A_40 = tpu.memref_slice %arg6[%dma_wait3A_38, %dma_wait3A_39] : memref<10008x128xf32, #tpu.memory_space<vmem_shared>> -> memref<10008x128xf32, #tpu.memory_space<vmem_shared>>
    tpu.wait_indirect_dma semaphore(%arg16 : memref<!tpu.dma_semaphore, #tpu.memory_space<semaphore_mem>>) src(%arg7 : memref<128x128xf32, #tpu.memory_space<vmem>>) dst(%dma_wait3A_40 : memref<10008x128xf32, #tpu.memory_space<vmem_shared>>)
    %barrier3A_41 = arith.constant 0 : index
    tpu.barrier barrier_id(%barrier3A_41)
    %lt3A_42 = arith.constant 15 : i32
    %lt3A_43 = arith.cmpi slt, %arg1, %lt3A_42 : i32
    %convert_element_type3A_44 = arith.extui %lt3A_43 : i1 to i32
    %cond3A_45 = arith.constant 0 : i32
    %cond3A_46 = arith.cmpi ne, %convert_element_type3A_44, %cond3A_45 : i32
    scf.if %cond3A_46 {
      %mul3A_52 = arith.constant 632 : i32
      %mul3A_53 = arith.muli %arg1, %mul3A_52 : i32
      %multiple_of3A_54 = tpu.assume_multiple %mul3A_53, 8 : i32
      "tpu.region"() ({
        %run_scoped3A = tpu.sem_alloc : memref<!tpu.dma_semaphore, #tpu.memory_space<semaphore_mem>>
        %dma_start3A_55 = arith.constant 0 : i32
        %dma_start3A_56 = tpu.memref_slice %arg5[%arg0, %multiple_of3A_54, %dma_start3A_55] : memref<2x10000x128xf32, #tpu.memory_space<hbm>> -> memref<1x632x128xf32, #tpu.memory_space<hbm>>
        %dma_start3A_57 = tpu.memref_squeeze %dma_start3A_56 : memref<1x632x128xf32, #tpu.memory_space<hbm>> -> memref<632x128xf32, #tpu.memory_space<hbm>>
        %dma_start3A_58 = arith.constant 0 : i32
        %dma_start3A_59 = tpu.memref_slice %arg6[%multiple_of3A_54, %dma_start3A_58] : memref<10008x128xf32, #tpu.memory_space<vmem_shared>> -> memref<632x128xf32, #tpu.memory_space<vmem_shared>>
        tpu.enqueue_dma source(%dma_start3A_59 : memref<632x128xf32, #tpu.memory_space<vmem_shared>>) target(%dma_start3A_57 : memref<632x128xf32, #tpu.memory_space<hbm>>) target_semaphore(%run_scoped3A : memref<!tpu.dma_semaphore, #tpu.memory_space<semaphore_mem>>)
        %dma_wait3A_60 = arith.constant 0 : i32
        %dma_wait3A_61 = tpu.memref_slice %arg5[%arg0, %multiple_of3A_54, %dma_wait3A_60] : memref<2x10000x128xf32, #tpu.memory_space<hbm>> -> memref<1x632x128xf32, #tpu.memory_space<hbm>>
        %dma_wait3A_62 = tpu.memref_squeeze %dma_wait3A_61 : memref<1x632x128xf32, #tpu.memory_space<hbm>> -> memref<632x128xf32, #tpu.memory_space<hbm>>
        %dma_wait3A_63 = arith.constant 0 : i32
        %dma_wait3A_64 = tpu.memref_slice %arg6[%multiple_of3A_54, %dma_wait3A_63] : memref<10008x128xf32, #tpu.memory_space<vmem_shared>> -> memref<632x128xf32, #tpu.memory_space<vmem_shared>>
        tpu.wait_dma2 semaphore(%run_scoped3A : memref<!tpu.dma_semaphore, #tpu.memory_space<semaphore_mem>>) src(%dma_wait3A_64 : memref<632x128xf32, #tpu.memory_space<vmem_shared>>) dst(%dma_wait3A_62 : memref<632x128xf32, #tpu.memory_space<hbm>>)
        tpu.yield
      }) : () -> ()
    } else {
    }
    %eq3A_47 = arith.constant 15 : i32
    %eq3A_48 = arith.cmpi eq, %arg1, %eq3A_47 : i32
    %convert_element_type3A_49 = arith.extui %eq3A_48 : i1 to i32
    %cond3A_50 = arith.constant 0 : i32
    %cond3A_51 = arith.cmpi ne, %convert_element_type3A_49, %cond3A_50 : i32
    scf.if %cond3A_51 {
      "tpu.region"() ({
        %run_scoped3A = tpu.sem_alloc : memref<!tpu.dma_semaphore, #tpu.memory_space<semaphore_mem>>
        %dma_start3A_52 = arith.constant 9480 : i32
        %dma_start3A_53 = arith.constant 0 : i32
        %dma_start3A_54 = tpu.memref_slice %arg5[%arg0, %dma_start3A_52, %dma_start3A_53] : memref<2x10000x128xf32, #tpu.memory_space<hbm>> -> memref<1x520x128xf32, #tpu.memory_space<hbm>>
        %dma_start3A_55 = tpu.memref_squeeze %dma_start3A_54 : memref<1x520x128xf32, #tpu.memory_space<hbm>> -> memref<520x128xf32, #tpu.memory_space<hbm>>
        %dma_start3A_56 = arith.constant 9480 : i32
        %dma_start3A_57 = arith.constant 0 : i32
        %dma_start3A_58 = tpu.memref_slice %arg6[%dma_start3A_56, %dma_start3A_57] : memref<10008x128xf32, #tpu.memory_space<vmem_shared>> -> memref<520x128xf32, #tpu.memory_space<vmem_shared>>
        tpu.enqueue_dma source(%dma_start3A_58 : memref<520x128xf32, #tpu.memory_space<vmem_shared>>) target(%dma_start3A_55 : memref<520x128xf32, #tpu.memory_space<hbm>>) target_semaphore(%run_scoped3A : memref<!tpu.dma_semaphore, #tpu.memory_space<semaphore_mem>>)
        %dma_wait3A_59 = arith.constant 9480 : i32
        %dma_wait3A_60 = arith.constant 0 : i32
        %dma_wait3A_61 = tpu.memref_slice %arg5[%arg0, %dma_wait3A_59, %dma_wait3A_60] : memref<2x10000x128xf32, #tpu.memory_space<hbm>> -> memref<1x520x128xf32, #tpu.memory_space<hbm>>
        %dma_wait3A_62 = tpu.memref_squeeze %dma_wait3A_61 : memref<1x520x128xf32, #tpu.memory_space<hbm>> -> memref<520x128xf32, #tpu.memory_space<hbm>>
        %dma_wait3A_63 = arith.constant 9480 : i32
        %dma_wait3A_64 = arith.constant 0 : i32
        %dma_wait3A_65 = tpu.memref_slice %arg6[%dma_wait3A_63, %dma_wait3A_64] : memref<10008x128xf32, #tpu.memory_space<vmem_shared>> -> memref<520x128xf32, #tpu.memory_space<vmem_shared>>
        tpu.wait_dma2 semaphore(%run_scoped3A : memref<!tpu.dma_semaphore, #tpu.memory_space<semaphore_mem>>) src(%dma_wait3A_65 : memref<520x128xf32, #tpu.memory_space<vmem_shared>>) dst(%dma_wait3A_62 : memref<520x128xf32, #tpu.memory_space<hbm>>)
        tpu.yield
      }) : () -> ()
    } else {
    }
    return
  }
}

</mosaic_0001>

<sc_bundles>
// kernel: _deg_sc.3.cloned.1.call-start
scs
__scs_entry_jumppad:
0x0: {  	(pc) =	sbr.rel $0x88, $3  }
0x1: {  	(tag) =	ssettag $0x0;
	lr =	simm.s32 $0x1  }
0x2: {  	[smem:$0x3F9E] =	sst lr;
	_ =	strace $0xD0000000  }
0x3: {  	_ = 	snop  }
0x4: {  	_ = 	snop  }
0x5: {  	_ = 	snop  }
0x6: {  	_ = 	snop  }
0x7: {  	_ = 	snop  }
__scs_overlays_trampoline_lowered:
0x8: {  	[smem:$0x3FAD] =	sst s0  }
0x9: {  	[smem:$0x3FAE] =	sst s1  }
0xa: {  	[smem:$0x3FAF] =	sst s2  }
0xb: {  	[smem:$0x3FB0] =	sst s3  }
0xc: {  	[smem:$0x3FB1] =	sst s4  }
0xd: {  	[smem:$0x3FB2] =	sst s5  }
0xe: {  	[smem:$0x3FB3] =	sst s6  }
0xf: {  	[smem:$0x3FB4] =	sst s7  }
0x10: {  	[smem:$0x3FB5] =	sst s8  }
0x11: {  	[smem:$0x3FB6] =	sst s9;
	s0 =	simm.s32 @!p0 $0x0  }
0x12: {  	s1 =	sld [smem:$0x3F9C];
	s0 =	simm.s32 @p0 $0x1  }
0x13: {  	[smem:$0x3FB7] =	sst s0;
	s0 =	simm.s32 @!p1 $0x0  }
0x14: {  	s2 =	sld [smem:$0x3F9B];
	s0 =	simm.s32 @p1 $0x1  }
0x15: {  	[smem:$0x3FB8] =	sst s0;
	s0 =	simm.s32 @!p2 $0x0  }
0x16: {  	s3 =	sld [smem:$0x3FDB];
	s0 =	simm.s32 @p2 $0x1  }
0x17: {  	s4 =	simm.s32 $0x1BF5;
	[smem:$0x3FBA] =	sst s0  }
0x18: {  	s0 =	sld [smem:$0x3F9D];
	_ =	swait.ge [sflag:s4], $0x0  }
0x19: {  	s7 =	sld [smem:$0x3F9E]  }
0x1a: {  	s8 =	sadd.s32 $0xFFFFE003, lr  }
0x1b: {  	s9 =	sadd.s32 $0xFFFFFEF7, lr;
	s5 =	simm.s32 $0xFFFFFFFF;
	p2 =	slt.u32 s8, $0xFFFFF086  }
0x1c: {  	p1 =	slt.u32 s9, $0xF7A;
	s5 =	simm.s32 @!p2 $0x0  }
0x1d: {  	s5 =	simm.s32 @p1 $0x1;
	p0 =	seq.s32 s7, s2  }
0x1e: {  	s7 =	smul.u32 @!p0 $0xF7A, s2;
	p2 =	seq.s32 @!p0 s5, $0x0  }
0x1f: {  	s9 =	smul.u32 $0xF7A, s1;
	s8 =	simm.s32 @!p0 $0x1BF5;
	p2 =	por !p2, p0  }
0x20: {  	[sflag:s8] =	ssyncset.s32 @!p0 $0xFFFFF086;
	s6 =	sadd.s32 @!p0 s3, s7;
	s7 =	simm.s32 @!p0 $0x108  }
0x21: {  	s3 =	sadd.s32 s3, s9;
	s6 =	sadd.s32 @!p0 $0x88, s6;
	s7 =	simm.s32 @p2 $0x1082  }
0x22: {  	[simem:s7], [sflag:s8] =	dma.local @!p0 [hbm:s6], $0xF7A  }
0x23: {  	s9 =	sor.u32 $0xD0000000, s2;
	s6 =	simm.s32 $0x108;
	_ =	swait.ge @!p0 [sflag:s8], $0x0  }
0x24: {  	s3 =	sadd.s32 $0x88, s3;
	s6 =	simm.s32 @!p1 $0x1082;
	[sflag:s4] =	ssyncset.s32 $0xFFFFF086  }
0x25: {  	[simem:s6], [sflag:s4] =	dma.local [hbm:s3], $0xF7A  }
0x26: {  	[smem:$0x3F9E] =	sst s1;
	(tag) =	ssettag s2;
	_ =	strace s9  }
0x27: {  	s1 =	sld [smem:$0x3FAE]  }
0x28: {  	s2 =	sld [smem:$0x3FAF]  }
0x29: {  	s4 =	sld [smem:$0x3FB1]  }
0x2a: {  	p0 =	seq.s32 s5, $0x0;
	s5 =	sld [smem:$0x3FB2]  }
0x2b: {  	s6 =	sld [smem:$0x3FB3]  }
0x2c: {  	s7 =	sld [smem:$0x3FB4]  }
0x2d: {  	s3 =	simm.s32 $0x108;
	s8 =	sld [smem:$0x3FB5]  }
0x2e: {  	s3 =	simm.s32 @!p0 $0x1082;
	s9 =	sld [smem:$0x3FB6]  }
0x2f: {  	lr =	sadd.s32 s0, s3;
	s0 =	sld [smem:$0x3FAD]  }
0x30: {  	s3 =	sld [smem:$0x3FB0]  }
0x31: {  	[smem:$0x3FB9] =	sst s10  }
0x32: {  	s10 =	sld [smem:$0x3FB7];
	_ =	sdelay $0x3  }
0x33: {  	p0 =	seq.s32 s10, $0x1;
	s10 =	sld [smem:$0x3FB9];
	_ =	sdelay $0x3  }
0x34: {  	[smem:$0x3FB9] =	sst s10  }
0x35: {  	s10 =	sld [smem:$0x3FB8];
	_ =	sdelay $0x3  }
0x36: {  	p1 =	seq.s32 s10, $0x1;
	s10 =	sld [smem:$0x3FB9];
	_ =	sdelay $0x3  }
0x37: {  	[smem:$0x3FB9] =	sst s10  }
0x38: {  	s10 =	sld [smem:$0x3FBA]  }
0x39: {  	_ = 	snop;
	(pc) =	sbr.ind lr, $3  }
0x3a: {  	_ = 	snop  }
0x3b: {  	_ = 	snop  }
0x3c: {  	p2 =	seq.s32 s10, $0x1;
	s10 =	sld [smem:$0x3FB9]  }
0x3d: {  	_ =	shalt  }
0x3e: {  	_ =	shalt  }
0x3f: {  	_ =	shalt  }
0x40: {  	_ =	shalt  }
0x41: {  	_ =	shalt  }
0x42: {  	_ =	shalt  }
0x43: {  	_ =	shalt  }
0x44: {  	_ =	shalt  }
0x45: {  	_ =	shalt  }
0x46: {  	_ =	shalt  }
0x47: {  	_ =	shalt  }
0x48: {  	_ =	shalt  }
0x49: {  	_ =	shalt  }
0x4a: {  	_ =	shalt  }
0x4b: {  	_ =	shalt  }
0x4c: {  	_ =	shalt  }
0x4d: {  	_ =	shalt  }
0x4e: {  	_ =	shalt  }
0x4f: {  	_ =	shalt  }
0x50: {  	_ =	shalt  }
0x51: {  	_ =	shalt  }
0x52: {  	_ =	shalt  }
0x53: {  	_ =	shalt  }
0x54: {  	_ =	shalt  }
0x55: {  	_ =	shalt  }
0x56: {  	_ =	shalt  }
0x57: {  	_ =	shalt  }
0x58: {  	_ =	shalt  }
0x59: {  	_ =	shalt  }
0x5a: {  	_ =	shalt  }
0x5b: {  	_ =	shalt  }
0x5c: {  	_ =	shalt  }
0x5d: {  	_ =	shalt  }
0x5e: {  	_ =	shalt  }
0x5f: {  	_ =	shalt  }
0x60: {  	_ =	shalt  }
0x61: {  	_ =	shalt  }
0x62: {  	_ =	shalt  }
0x63: {  	_ =	shalt  }
0x64: {  	_ =	shalt  }
0x65: {  	_ =	shalt  }
0x66: {  	_ =	shalt  }
0x67: {  	_ =	shalt  }
0x68: {  	_ =	shalt  }
0x69: {  	_ =	shalt  }
0x6a: {  	_ =	shalt  }
0x6b: {  	_ =	shalt  }
0x6c: {  	_ =	shalt  }
0x6d: {  	_ =	shalt  }
0x6e: {  	_ =	shalt  }
0x6f: {  	_ =	shalt  }
0x70: {  	_ =	shalt  }
0x71: {  	_ =	shalt  }
0x72: {  	_ =	shalt  }
0x73: {  	_ =	shalt  }
0x74: {  	_ =	shalt  }
0x75: {  	_ =	shalt  }
0x76: {  	_ =	shalt  }
0x77: {  	_ =	shalt  }
0x78: {  	_ =	shalt  }
0x79: {  	_ =	shalt  }
0x7a: {  	_ =	shalt  }
0x7b: {  	_ =	shalt  }
0x7c: {  	_ =	shalt  }
0x7d: {  	_ =	shalt  }
0x7e: {  	_ =	shalt  }
0x7f: {  	_ =	shalt  }
0x80: {  	_ =	shalt  }
0x81: {  	_ =	shalt  }
0x82: {  	_ =	shalt  }
0x83: {  	_ =	shalt  }
0x84: {  	_ =	shalt  }
0x85: {  	_ =	shalt  }
0x86: {  	_ =	shalt  }
0x87: {  	_ =	shalt  }
.Lfunc_end0:
.L_simem_size_0:
called_computation_lowered:
.L_overlay_start_0:
0x88: {  	s2 =	sld [smem:$0x3FD9]  }
0x89: {  	s3 =	sld [smem:$0x3FFE];
	_ =	sdelay $0x1  }
0x8a: {  	s1 =	srdreg.scid  }
0x8b: {  	s0 =	sand.u32 $0x1, s1  }
0x8c: {  	s18 =	sshll.u32 s0, $0xA;
	s2 =	sadd.s32 s3, s2  }
0x8d: {  	s2 =	sadd.s32 s2, s18  }
0x8e: {  	[smem:$0x3FC5] =	sst s2  }
0x8f: {  	_ = 	snop  }
0x90: {  	s2 =	sld [smem:$0x3FC9]  }
0x91: {  	s19 =	sld [smem:$0x3FC8]  }
0x92: {  	s4 =	sld [smem:$0x3FC7]  }
0x93: {  	s5 =	sld [smem:$0x3FD0];
	(tm) =	ssettm $0x1  }
0x94: {  	s6 =	sld [smem:$0x3FFB];
	_ =	sdelay $0x3  }
0x95: {  	_ =	strace s6  }
0x96: {  	s6 =	sld [smem:$0x3FFC];
	_ =	sdelay $0x3  }
0x97: {  	_ =	strace s6  }
0x98: {  	s6 =	sld [smem:$0x3FFD];
	_ =	sdelay $0x3  }
0x99: {  	_ =	strace s6  }
0x9a: {  	_ =	strace $0x8FFFFFFF  }
0x9b: {  	s20 =	sld [smem:$0x3FDB];
	_ =	sdelay $0x1  }
0x9c: {  	s7 =	simm.s32 $_scs_section_size  }
0x9d: {  	s8 =	simm.s32 $_size__tile_overlayer_lowered;
	s9 =	simm.s32 $_tile_overlayer_lowered  }
0x9e: {  	s23 =	simm.s32 $0x1BFF;
	s22 =	sshll.u32 s9, $0x1;
	s6 =	sadd.s32 s7, s20  }
0x9f: {  	s10 =	simm.s32 $0x0;
	s21 =	sshll.u32 s8, $0x1;
	s8 =	sadd.s32 s22, s6  }
0xa0: {  	[timem:s10], [sflag:s23] =	dma.local [hbm:s8], s21  }
0xa1: {  	_ =	swait.ge [sflag:s23], s21  }
0xa2: {  	s7 =	ssub.s32 $0x0, s21;
	[sflag:s23] =	ssyncset.done $0x0  }
0xa3: {  	[sflag:s23] =	ssyncadd.s32 s7;
	_ =	sdelay $0x1  }
0xa4: {  	s24 =	simm.s32 $0x1B8B  }
0xa5: {  	_ =	swait.ge [sflag:s24], $0x1  }
0xa6: {  	[sflag:s24] =	ssyncset.done $0x0  }
0xa7: {  	s25 =	simm.s32 $0x1B8E;
	[sflag:s24] =	ssyncadd.s32 $0xFFFFFFFF  }
0xa8: {  	s26 =	simm.s32 $execute0_lowered;
	[smem:$0x3FD2] =	sst s25  }
0xa9: {  	s7 =	sshll.u32 s26, $0x1;
	_ =	strace $0x80000046;
	[dreg:$0x1] =	wrdreg $0xFFFFFFFF  }
0xaa: {  	s28 =	simm.s32 $_size_execute0_lowered;
	s6 =	sadd.s32 s6, s7;
	[dreg:$0x0] =	wrdreg $0x0  }
0xab: {  	s7 =	sshll.u32 s28, $0x1;
	[dreg:$0x2] =	wrdreg s6  }
0xac: {  	[dreg:$0x3] =	wrdreg s7  }
0xad: {  	[dreg:$0x4] =	wrdreg $0xC0  }
0xae: {  	_ =	task [dreg:s10], $0x5FFFF  }
0xaf: {  	[dreg:$0x1] =	wrdreg $0xFFFFFFFF  }
0xb0: {  	[dreg:$0x0] =	wrdreg $0x60  }
0xb1: {  	[dreg:$0x2] =	wrdreg s2  }
0xb2: {  	[dreg:$0x3] =	wrdreg s19  }
0xb3: {  	[dreg:$0x4] =	wrdreg s4  }
0xb4: {  	[dreg:$0x5] =	wrdreg s5  }
0xb5: {  	[dreg:$0x6] =	wrdreg $0x0  }
0xb6: {  	[dreg:$0x7] =	wrdreg $0x9  }
0xb7: {  	_ =	task.clear_ibuf [dreg:s10], $0x8FFFF;
	_ =	strace $0x90000046  }
0xb8: {  	s29 =	simm.s32 $0x9;
	_ =	strace $0x80000048  }
0xb9: {  	_ =	swait.ge [sflag:s29], $0x1  }
0xba: {  	[sflag:s29] =	ssyncadd.s32 $0xFFFFFFFF  }
0xbb: {  	_ =	strace $0x90000048  }
0xbc: {  	_ =	sfence  }
0xbd: {  	s30 =	sld [smem:$0x0];
	_ =	sdelay $0x2  }
0xbe: {  	s31 =	sshll.u32 s1, $0xD;
	s1 =	sshrl.u32 s1, $0x2  }
0xbf: {  	s3 =	sand.u32 $0x4000, s31;
	s1 =	sadd.s32 s1, s30  }
0xc0: {  	s0 =	sor.u32 s3, s0;
	s1 =	sshll.u32 s1, $0x11  }
0xc1: {  	s0 =	sor.u32 s1, s0  }
0xc2: {  	s0 =	sadd.s32 $0x8F2B, s0  }
0xc3: {  	[sflag:s0] =	ssyncadd.remote.s32 $0x1  }
0xc4: {  	_ =	sfence.sel $0xFFFF  }
0xc5: {  	[dreg:$0x0] =	wrdreg $0xFFFFFFFF;
	(pc) =	sbr.abs _section_cstart, $3  }
0xc6: {  	[dreg:$0x1] =	wrdreg $0xFFFFFFFF  }
0xc7: {  	_ =	task.clear_ibuf [dreg:s10], $0x2FFFF;
	_ =	strace $0x9FFFFFFF  }
0xc8: {  	(tm) =	ssettm $0x7FFFFFFF  }
0xc9: {  	_ =	shalt  }
tec
execute0_lowered:
.L_overlay_start_1:
0x0: {  	(tag) =	ssettag $0x1  }
0x1: {  	s0 =	rddreg [dreg:$0x0]  }
0x2: {  	s1 =	rddreg [dreg:$0x1]  }
0x3: {  	s2 =	rddreg [dreg:$0x3]  }
0x4: {  	s3 =	rddreg [dreg:$0x4]  }
0x5: {  	s5 =	srdreg.scid;
	s18 =	stileid.u32  }
0x6: {  	s4 =	simm.s32 $0x0;
	s28 =	simm.s32 $0x2;
	s6 =	smul.u32 $0x4F000, s18  }
0x7: {  	s29 =	simm.s32 $0x17A40;
	s30 =	simm.s32 $0x3;
	s8 =	smul.u32 $0x2780, s18  }
0x8: {  	s31 =	simm.s32 $0x5;
	s5 =	sand.u32 $0x1, s5;
	s10 =	smul.u32 $0x4E80, s18  }
0x9: {  	[smem:$0x7FF] =	sst s4;
	s21 =	smul.u32 $0x13C00, s18;
	s17 =	sadd.s32 $0x128400, s3  }
0xa: {  	s26 =	smul.u32 $0x9D0, s18;
	p0 =	seq.s32 s18, $0xF;
	s7 =	ssub.s32 $0x2, s5  }
0xb: {  	_ =	strace $0x80000047;
	s5 =	smul.u32 $0x138800, s5;
	s17 =	sshrl.u32 @p0 s17, $0x3  }
0xc: {  	s9 =	sshrl.u32 s7, $0x1;
	s6 =	sshrl.u32 s6, $0x2;
	s20 =	sadd.s32 s1, s8  }
0xd: {  	s1 =	sadd.s32 $0x25080, s1;
	s22 =	sshrl.u32 s10, $0x3;
	s16 =	sadd.s32 s26, s0  }
0xe: {  	s26 =	simm.s32 $0x179C0;
	s9 =	ssub.s32 s7, s9;
	[dreg:$0x6] =	wrdreg s20  }
0xf: {  	s6 =	sadd.s32 s6, s3;
	[dreg:$0x7] =	wrdreg s1;
	s7 =	sadd.s32 s0, s22  }
0x10: {  	s23 =	sadd.s32 s21, s5;
	s5 =	sshrl.u32 s5, $0x3;
	s0 =	sshll.u32 @!p0 s18, $0x6  }
0x11: {  	s20 =	simm.s32 $0x138C0;
	s21 =	simm.s32 $0x9;
	s22 =	simm.s32 $0x178C0  }
0x12: {  	s24 =	sadd.s32 $0x10, s7;
	s1 =	sshrl.u32 s23, $0x3;
	s5 =	sadd.s32 s2, s5  }
0x13: {  	s11 =	smax.u32 s9, $0x1;
	s12 =	sadd.s32 $0x20, s7;
	s13 =	sadd.s32 $0x30, s7  }
0x14: {  	s14 =	sadd.s32 $0x40, s7;
	s15 =	sadd.s32 $0x50, s7;
	s18 =	sor.u32 @!p0 $0x1C09, s0  }
.Ltmp0:
0x15: {  	s19 =	sshrl.u32 @!p0 s6, $0x3;
	s23 =	simm.s32 $0x17940;
	(pc) =	sbr.rel .LBB2_1-.Ltmp0, $4  }
0x16: {  	s0 =	simm.s32 $0x4;
	s6 =	simm.s32 $0x0;
	[dreg:$0x8] =	wrdreg s24  }
0x17: {  	s1 =	sadd.s32 s2, s1;
	s25 =	sadd.s32 $0x25080, s5;
	s24 =	simm.s32 $0x1  }
0x18: {  	s2 =	simm.s32 $0x6;
	s5 =	simm.s32 $0x8;
	[dreg:$0x9] =	wrdreg s1  }
0x19: {  	[dreg:$0xa] =	wrdreg s25;
	s25 =	simm.s32 $0x80;
	s1 =	simm.s32 $0x7  }
.LBB2_4:
0x1a: {  	_ =	swait.ge [sflag:s24], $0x80  }
0x1b: {  	[sflag:s24] =	ssyncset.done $0x0  }
0x1c: {  	[sflag:s24] =	ssyncadd.s32 $0xFFFFFF80  }
0x1d: {  	[spmem:s3] =	stream.indirect.scatter.add.f32 [tilespmem:s20], [sflag:$0x5], $0x80, s22, s25, $0xb8;
	[tilespmem:$0x17AC0] =	vst v63  }
0x1e: {  	_ =	swait.ge [sflag:s2], $0x4000  }
0x1f: {  	[sflag:s2] =	ssyncset.done $0x0  }
0x20: {  	[sflag:s2] =	ssyncadd.s32 $0xFFFFC000  }
0x21: {  	_ =	swait.ge [sflag:s1], $0x4000  }
0x22: {  	[sflag:s1] =	ssyncset.done $0x0  }
0x23: {  	[sflag:s1] =	ssyncadd.s32 $0xFFFFC000  }
0x24: {  	_ =	swait.ge [sflag:s5], $0x4000  }
0x25: {  	[sflag:s5] =	ssyncset.done $0x0  }
0x26: {  	[sflag:s5] =	ssyncadd.s32 $0xFFFFC000  }
0x27: {  	_ =	swait.ge [sflag:s31], $0x4000  }
0x28: {  	[sflag:s31] =	ssyncset.done $0x0  }
0x29: {  	[sflag:s31] =	ssyncadd.s32 $0xFFFFC000  }
0x2a: {  	[bflag:$0x0] =	sbarrier.arrive $0xFFFF  }
0x2b: {  	s8 =	simm.s32 @p0 $0x1FC9;
	s9 =	rddreg [dreg:$0xa]  }
0x2c: {  	[hbm:s9], [sflag:s8] =	dma.local @p0 [spmem:s17], $0x2080  }
0x2d: {  	s8 =	simm.s32 @p0 $0x9  }
0x2e: {  	_ =	swait.ge @p0 [sflag:s8], $0x2080  }
0x2f: {  	s6 =	sadd.s32 $0x1, s6;
	[sflag:s8] =	ssyncset.done @p0 $0x0  }
0x30: {  	p1 =	sne.s32 s6, s11;
	[sflag:s8] =	ssyncadd.s32 @p0 $0xFFFFDF80;
	s8 =	rddreg [dreg:$0x9]  }
0x31: {  	[hbm:s8], [sflag:s18] =	dma.local @!p0 [spmem:s19], $0x2780  }
.Ltmp1:
0x32: {  	_ = 	snop;
	(pc) =	sbr.rel @!p1 .LBB2_5-.Ltmp1, $4  }
0x33: {  	s8 =	simm.s32 @!p0 $0x9  }
0x34: {  	_ =	swait.ge @!p0 [sflag:s8], $0x2780  }
0x35: {  	[sflag:s8] =	ssyncset.done @!p0 $0x0  }
0x36: {  	[sflag:s8] =	ssyncadd.s32 @!p0 $0xFFFFD880  }
.LBB2_1:
0x37: {  	s8 =	simm.s32 @p0 $0x1FC9;
	s9 =	rddreg [dreg:$0x7]  }
0x38: {  	[spmem:s17], [sflag:s8] =	dma.local @p0 [hbm:s9], $0x2080  }
0x39: {  	s8 =	simm.s32 @p0 $0x9  }
0x3a: {  	_ =	swait.ge @p0 [sflag:s8], $0x2080  }
0x3b: {  	[sflag:s8] =	ssyncset.done @p0 $0x0  }
0x3c: {  	[sflag:s8] =	ssyncadd.s32 @p0 $0xFFFFDF80;
	s8 =	rddreg [dreg:$0x6]  }
0x3d: {  	[spmem:s19], [sflag:s18] =	dma.local @!p0 [hbm:s8], $0x2780  }
0x3e: {  	s8 =	simm.s32 @!p0 $0x9  }
0x3f: {  	_ =	swait.ge @!p0 [sflag:s8], $0x2780  }
0x40: {  	[sflag:s8] =	ssyncset.done @!p0 $0x0  }
0x41: {  	[sflag:s8] =	ssyncadd.s32 @!p0 $0xFFFFD880  }
0x42: {  	s8 =	rddreg [dreg:$0x2]  }
0x43: {  	[tilespmem:s20], [sflag:$0x9] =	stream.linear.gather [hbm4b:s8+s4], $0x4000, $0x38;
	[tilespmem:$0x17AC0] =	vst v63  }
0x44: {  	_ =	swait.ge [sflag:s21], $0x4000  }
0x45: {  	[sflag:s21] =	ssyncset.done $0x0  }
0x46: {  	[sflag:s21] =	ssyncadd.s32 $0xFFFFC000  }
0x47: {  	[bflag:$0x0] =	sbarrier.arrive $0xFFFF  }
0x48: {  	[tilespmem:s22], [sflag:$0x1] =	stream.linear.gather [hbm4b:s7+s4], $0x80, $0x38;
	[tilespmem:$0x17AC0] =	vst v63  }
0x49: {  	s10 =	rddreg [dreg:$0x8]  }
0x4a: {  	[tilespmem:s23], [sflag:$0x2] =	stream.linear.gather [hbm4b:s10+s4], $0x80, $0x38;
	[tilespmem:$0x17AC0] =	vst v63  }
0x4b: {  	_ =	swait.ge [sflag:s24], $0x80  }
0x4c: {  	[sflag:s24] =	ssyncset.done $0x0  }
0x4d: {  	[sflag:s24] =	ssyncadd.s32 $0xFFFFFF80  }
0x4e: {  	[spmem:s3] =	stream.indirect.scatter.add.f32 [tilespmem:s20], [sflag:$0x5], $0x80, s22, s25, $0xb8;
	[tilespmem:$0x17AC0] =	vst v63  }
0x4f: {  	_ = 	snop  }
0x50: {  	[tilespmem:s26], [sflag:$0x3] =	stream.linear.gather [hbm4b:s12+s4], $0x80, $0x38;
	[tilespmem:$0x17AC0] =	vst v63  }
0x51: {  	_ =	swait.ge [sflag:s28], $0x80  }
0x52: {  	[sflag:s28] =	ssyncset.done $0x0  }
0x53: {  	[sflag:s28] =	ssyncadd.s32 $0xFFFFFF80  }
0x54: {  	[spmem:s3] =	stream.indirect.scatter.add.f32 [tilespmem:s20], [sflag:$0x6], $0x80, s23, s25, $0xb8;
	[tilespmem:$0x17AC0] =	vst v63  }
0x55: {  	_ = 	snop  }
0x56: {  	[tilespmem:s29], [sflag:$0x4] =	stream.linear.gather [hbm4b:s13+s4], $0x80, $0x38;
	[tilespmem:$0x17AC0] =	vst v63  }
0x57: {  	_ =	swait.ge [sflag:s30], $0x80  }
0x58: {  	[sflag:s30] =	ssyncset.done $0x0  }
0x59: {  	[sflag:s30] =	ssyncadd.s32 $0xFFFFFF80  }
0x5a: {  	[spmem:s3] =	stream.indirect.scatter.add.f32 [tilespmem:s20], [sflag:$0x7], $0x80, s26, s25, $0xb8;
	[tilespmem:$0x17AC0] =	vst v63  }
0x5b: {  	_ =	swait.ge [sflag:s31], $0x4000  }
0x5c: {  	[sflag:s31] =	ssyncset.done $0x0  }
0x5d: {  	[sflag:s31] =	ssyncadd.s32 $0xFFFFC000  }
0x5e: {  	[tilespmem:s22], [sflag:$0x1] =	stream.linear.gather [hbm4b:s14+s4], $0x80, $0x38;
	[tilespmem:$0x17AC0] =	vst v63  }
0x5f: {  	_ =	swait.ge [sflag:s0], $0x80  }
0x60: {  	[sflag:s0] =	ssyncset.done $0x0  }
0x61: {  	[sflag:s0] =	ssyncadd.s32 $0xFFFFFF80  }
0x62: {  	[spmem:s3] =	stream.indirect.scatter.add.f32 [tilespmem:s20], [sflag:$0x8], $0x80, s29, s25, $0xb8;
	[tilespmem:$0x17AC0] =	vst v63  }
0x63: {  	_ =	swait.ge [sflag:s2], $0x4000  }
0x64: {  	[sflag:s2] =	ssyncset.done $0x0  }
0x65: {  	s8 =	simm.s32 $0xFFFFF6C0;
	[sflag:s2] =	ssyncadd.s32 $0xFFFFC000  }
0x66: {  	[tilespmem:s23], [sflag:$0x2] =	stream.linear.gather [hbm4b:s15+s4], $0x80, $0x38;
	[tilespmem:$0x17AC0] =	vst v63  }
.LBB2_2:
0x67: {  	_ =	swait.ge [sflag:s24], $0x80  }
0x68: {  	[sflag:s24] =	ssyncset.done $0x0  }
0x69: {  	[sflag:s24] =	ssyncadd.s32 $0xFFFFFF80  }
0x6a: {  	[spmem:s3] =	stream.indirect.scatter.add.f32 [tilespmem:s20], [sflag:$0x5], $0x80, s22, s25, $0xb8;
	[tilespmem:$0x17AC0] =	vst v63  }
0x6b: {  	_ =	swait.ge [sflag:s1], $0x4000  }
0x6c: {  	s9 =	sadd.s32 s8, s16;
	[sflag:s1] =	ssyncset.done $0x0  }
0x6d: {  	s10 =	sadd.s32 $0x9A0, s9;
	[sflag:s1] =	ssyncadd.s32 $0xFFFFC000  }
0x6e: {  	[tilespmem:s26], [sflag:$0x3] =	stream.linear.gather [hbm4b:s10+s4], $0x80, $0x38;
	[tilespmem:$0x17AC0] =	vst v63  }
0x6f: {  	_ =	swait.ge [sflag:s28], $0x80  }
0x70: {  	[sflag:s28] =	ssyncset.done $0x0  }
0x71: {  	[sflag:s28] =	ssyncadd.s32 $0xFFFFFF80  }
0x72: {  	[spmem:s3] =	stream.indirect.scatter.add.f32 [tilespmem:s20], [sflag:$0x6], $0x80, s23, s25, $0xb8;
	[tilespmem:$0x17AC0] =	vst v63  }
0x73: {  	_ =	swait.ge [sflag:s5], $0x4000  }
0x74: {  	[sflag:s5] =	ssyncset.done $0x0  }
0x75: {  	s10 =	sadd.s32 $0x9B0, s9;
	[sflag:s5] =	ssyncadd.s32 $0xFFFFC000  }
0x76: {  	[tilespmem:s29], [sflag:$0x4] =	stream.linear.gather [hbm4b:s10+s4], $0x80, $0x38;
	[tilespmem:$0x17AC0] =	vst v63  }
0x77: {  	_ =	swait.ge [sflag:s30], $0x80  }
0x78: {  	[sflag:s30] =	ssyncset.done $0x0  }
0x79: {  	[sflag:s30] =	ssyncadd.s32 $0xFFFFFF80  }
0x7a: {  	[spmem:s3] =	stream.indirect.scatter.add.f32 [tilespmem:s20], [sflag:$0x7], $0x80, s26, s25, $0xb8;
	[tilespmem:$0x17AC0] =	vst v63  }
0x7b: {  	_ =	swait.ge [sflag:s31], $0x4000  }
0x7c: {  	[sflag:s31] =	ssyncset.done $0x0  }
0x7d: {  	p1 =	seq.s32 s8, $0x0;
	s10 =	sadd.s32 $0x9C0, s9;
	[sflag:s31] =	ssyncadd.s32 $0xFFFFC000  }
0x7e: {  	[tilespmem:s22], [sflag:$0x1] =	stream.linear.gather [hbm4b:s10+s4], $0x80, $0x38;
	[tilespmem:$0x17AC0] =	vst v63  }
.Ltmp2:
0x7f: {  	_ = 	snop;
	(pc) =	sbr.rel @p1 .LBB2_4-.Ltmp2, $4  }
0x80: {  	_ =	swait.ge [sflag:s0], $0x80  }
0x81: {  	[sflag:s0] =	ssyncset.done $0x0  }
0x82: {  	[sflag:s0] =	ssyncadd.s32 $0xFFFFFF80  }
0x83: {  	[spmem:s3] =	stream.indirect.scatter.add.f32 [tilespmem:s20], [sflag:$0x8], $0x80, s29, s25, $0xb8;
	[tilespmem:$0x17AC0] =	vst v63  }
.Ltmp3:
0x84: {  	(pc) =	sbr.rel .LBB2_2-.Ltmp3, $4  }
0x85: {  	_ =	swait.ge [sflag:s2], $0x4000  }
0x86: {  	[sflag:s2] =	ssyncset.done $0x0  }
0x87: {  	s9 =	sadd.s32 $0x9D0, s9;
	s8 =	sadd.s32 $0x40, s8;
	[sflag:s2] =	ssyncadd.s32 $0xFFFFC000  }
0x88: {  	[tilespmem:s23], [sflag:$0x2] =	stream.linear.gather [hbm4b:s9+s4], $0x80, $0x38;
	[tilespmem:$0x17AC0] =	vst v63  }
.LBB2_5:
0x89: {  	_ =	sfence.sel $0x180000  }
0x8a: {  	[bflag:$0x0] =	sbarrier.arrive $0xFFFF  }
0x8b: {  	_ =	strace $0x90000047  }
0x8c: {  	s0 =	stileid.u32;
	[bflag:$0x2] =	sbarrier.arrive $0xFFFF  }
0x8d: {  	p0 =	sne.s32 s0, $0x0;
	s0 =	rddreg [dreg:$0x5]  }
0x8e: {  	s0 =	sadd.s32 @!p0 $0x100000, s0  }
0x8f: {  	[sflag:s0] =	ssyncadd.tile.s32 @!p0 $0x1;
	_ =	shalt  }
.Lfunc_end2:
_tile_overlayer_lowered:
.L_overlay_start_2:
0x90: {  	(tag) =	ssettag $0x2  }
0x91: {  	s0 =	rddreg [dreg:$0x0];
	s2 =	stileid.u32  }
0x92: {  	s1 =	rddreg [dreg:$0x1];
	p0 =	sne.s32 s2, $0x0  }
0x93: {  	s3 =	rddreg [dreg:$0x2];
	[bflag:$0x3] =	sbarrier.arrive $0xFFFF;
	s2 =	simm.s32 @!p0 $0x1C09  }
0x94: {  	[timem:s3], [sflag:s2] =	dma.local @!p0 [hbm:s0], s1  }
0x95: {  	s0 =	simm.s32 @!p0 $0x9  }
0x96: {  	_ =	swait.ge @!p0 [sflag:s0], s1  }
0x97: {  	s1 =	ssub.s32 @!p0 $0x0, s1;
	[sflag:s0] =	ssyncset.done @!p0 $0x0  }
0x98: {  	[sflag:s0] =	ssyncadd.s32 @!p0 s1  }
0x99: {  	[bflag:$0x3] =	sbarrier.arrive $0xFFFF  }
0x9a: {  	_ =	shalt  }

</sc_bundles>
